<compile_context>
chip_gen: v7x
topology: tpu7x:2x2x1
jax: 0.10.2.dev20260603
libtpu: 0.0.44.dev20260713+nightly
codegen_flags: <defaults>
</compile_context>

<pallas_src>
import functools

import jax
import jax.numpy as jnp
from jax import lax
from jax.experimental import pallas as pl
from jax.experimental.pallas import tpu as pltpu
from jax.experimental.pallas import tpu_sc as plsc


def _copy_body(x_ref, o_ref):
    o_ref[...] = x_ref[...]


def _tc_copy(x2d, blk):
    r, d = x2d.shape
    return pl.pallas_call(
        _copy_body,
        grid=(r // blk,),
        in_specs=[pl.BlockSpec((blk, d), lambda i: (i, 0))],
        out_specs=pl.BlockSpec((blk, d), lambda i: (i, 0)),
        out_shape=jax.ShapeDtypeStruct(x2d.shape, x2d.dtype),
    )(x2d)


def _make_sc_scatter(b, s, d, n, chunk=8):
    nc, ns = 2, 16
    mesh = plsc.VectorSubcoreMesh(
        core_axis_name="c", subcore_axis_name="s", num_cores=nc, num_subcores=ns
    )
    ntasks = b * n
    nworkers = ntasks // chunk

    @functools.partial(
        pl.kernel,
        out_type=(),
        mesh=mesh,
        scratch_types=[
            pltpu.VMEM((chunk,), jnp.int32),
            pltpu.VMEM((chunk, d), jnp.float32),
            pltpu.SemaphoreType.DMA,
        ],
    )
    def sc_scatter(out_ref, vals_hbm, flat_hbm, idx_v, rows_v, sem):
        wid = lax.axis_index("s") * nc + lax.axis_index("c")

        @pl.when(wid < nworkers)
        def _():
            t0 = wid * chunk
            i0 = t0 % n
            vals_cp = pltpu.make_async_copy(
                vals_hbm.at[pl.ds(i0, chunk)], rows_v, sem
            )
            vals_cp.start()
            pltpu.sync_copy(flat_hbm.at[pl.ds(t0, chunk)], idx_v)
            vals_cp.wait()
            pltpu.async_copy(rows_v, out_ref.at[idx_v], sem).wait()

    return sc_scatter


def kernel(x, replace_vals, replace_idx):
    b, s, d = x.shape
    n = replace_vals.shape[0]
    x2d = x.reshape(b * s, d)
    y = _tc_copy(x2d, blk=512)
    flat_idx = (
        replace_idx[None, :] + (jnp.arange(b, dtype=jnp.int32) * s)[:, None]
    ).reshape(-1)
    y_ref = jax.new_ref(y)
    _make_sc_scatter(b, s, d, n)(y_ref, replace_vals, flat_idx)
    return jax.freeze(y_ref).reshape(b, s, d)

# --- scband reference (transcript-rebuilt; emitter-appended) ---
"""Pipeline reference for scband-neuron-replace-17935783428132 (READ-ONLY COPY).

The authoritative reference and input builder live on the scoring server;
editing this copy changes nothing except your own understanding.
"""

import jax, jax.numpy as jnp
import numpy as np

B, S, D = 2, 4096, 4096
N_REPLACE = 64

def setup_inputs(seed: int = 0) -> dict:
    key = jax.random.key(seed)
    k1, k2 = jax.random.split(key)
    x = jax.random.normal(k1, (B, S, D), dtype=jnp.float32)
    # learned parameters added via add_token(token_index, value):
    # 64 replacement vectors at token indices 0, 64, 128, ..., spread across the sequence
    replace_vals = jax.random.normal(k2, (N_REPLACE, D), dtype=jnp.float32)
    replace_idx = jnp.arange(N_REPLACE, dtype=jnp.int32) * (S // N_REPLACE)
    return {"x": x, "replace_vals": replace_vals, "replace_idx": replace_idx}

def reference(x, replace_vals, replace_idx):
    # NeuronReplace.forward with autorestart (n_new_tokens > 1 -> tokens_seen = 0):
    # for each stored token_index < seq_len, overwrite x[:, token_index] with the
    # stored parameter value (broadcast across the batch dimension).
    vals = jnp.broadcast_to(replace_vals[None, :, :], (x.shape[0], replace_vals.shape[0], replace_vals.shape[1]))
    out = x.at[:, replace_idx, :].set(vals)
    return out

if __name__ == "__main__":
    import jax
    _d = setup_inputs()
    print(jax.jit(kernel)(*tuple(_d.values())))

</pallas_src>

<mosaic_0001>
#map = affine_map<(d0, d1) -> (0, 0)>
#map1 = affine_map<(d0, d1) -> (0)>
module attributes {stable_mosaic.version = 14 : i64} {
  func.func @new_body(%arg0: i32, %arg1: i32, %arg2: memref<8192x4096xf32, #tpu.memory_space<hbm>>, %arg3: memref<64x4096xf32, #tpu.memory_space<hbm>>, %arg4: memref<128xi32, #tpu.memory_space<hbm>>, %arg5: memref<8192x4096xf32, #tpu.memory_space<hbm>>, %arg6: memref<8xi32, #tpu.memory_space<vmem>>, %arg7: memref<8x4096xf32, #tpu.memory_space<vmem>>, %arg8: memref<!tpu.dma_semaphore, #tpu.memory_space<semaphore_mem>>) attributes {dimension_semantics = [#tpu.dimension_semantics<core_parallel>, #tpu.dimension_semantics<subcore_parallel>], iteration_bounds = array<i64: 2, 16>, scalar_prefetch = 0 : i64, scratch_operands = 3 : i64, tpu.core_type = #tpu.core_type<sc_vector_subcore>, window_params = [{transform_indices = #map}, {transform_indices = #map}, {transform_indices = #map1}, {transform_indices = #map}]} {
    %mul3A = arith.constant 2 : i32
    %mul3A_0 = arith.muli %arg1, %mul3A : i32
    %add3A = arith.addi %mul3A_0, %arg0 : i32
    %lt3A = arith.constant 16 : i32
    %lt3A_1 = arith.cmpi slt, %add3A, %lt3A : i32
    %convert_element_type3A = arith.extui %lt3A_1 : i1 to i32
    %cond3A = arith.constant 0 : i32
    %cond3A_2 = arith.cmpi ne, %convert_element_type3A, %cond3A : i32
    scf.if %cond3A_2 {
      %mul3A_3 = arith.constant 8 : i32
      %mul3A_4 = arith.muli %add3A, %mul3A_3 : i32
      %jit3A = arith.constant 64 : i32
      %eq3A = arith.constant 0 : i32
      %eq3A_5 = arith.cmpi eq, %jit3A, %eq3A : i32
      %jit3A_6 = arith.constant 1 : i32
      %select_n3A = arith.select %eq3A_5, %jit3A_6, %jit3A : i32
      %rem3A = arith.remsi %mul3A_4, %select_n3A : i32
      %ne3A = arith.constant 0 : i32
      %ne3A_7 = arith.cmpi ne, %rem3A, %ne3A : i32
      %lt3A_8 = arith.constant 0 : i32
      %lt3A_9 = arith.cmpi slt, %rem3A, %lt3A_8 : i32
      %lt3A_10 = arith.constant 0 : i32
      %lt3A_11 = arith.cmpi slt, %select_n3A, %lt3A_10 : i32
      %ne3A_12 = arith.xori %lt3A_9, %lt3A_11 : i1
      %and3A = arith.andi %ne3A_12, %ne3A_7 : i1
      %add3A_13 = arith.addi %rem3A, %select_n3A : i32
      %select_n3A_14 = arith.select %and3A, %add3A_13, %rem3A : i32
      %dma_start3A = arith.constant 0 : i32
      %dma_start3A_15 = tpu.memref_slice %arg3[%select_n3A_14, %dma_start3A] : memref<64x4096xf32, #tpu.memory_space<hbm>> -> memref<8x4096xf32, #tpu.memory_space<hbm>>
      %dma_start3A_16 = arith.constant 0 : i32
      %dma_start3A_17 = tpu.memref_slice %arg3[%select_n3A_14, %dma_start3A_16] : memref<64x4096xf32, #tpu.memory_space<hbm>> -> memref<8x4096xf32, #tpu.memory_space<hbm>>
      tpu.enqueue_dma source(%dma_start3A_17 : memref<8x4096xf32, #tpu.memory_space<hbm>>) target(%arg7 : memref<8x4096xf32, #tpu.memory_space<vmem>>) target_semaphore(%arg8 : memref<!tpu.dma_semaphore, #tpu.memory_space<semaphore_mem>>)
      "tpu.region"() ({
        %run_scoped3A = tpu.sem_alloc : memref<!tpu.dma_semaphore, #tpu.memory_space<semaphore_mem>>
        %dma_start3A_27 = tpu.memref_slice %arg4[%mul3A_4] : memref<128xi32, #tpu.memory_space<hbm>> -> memref<8xi32, #tpu.memory_space<hbm>>
        %dma_start3A_28 = tpu.memref_slice %arg4[%mul3A_4] : memref<128xi32, #tpu.memory_space<hbm>> -> memref<8xi32, #tpu.memory_space<hbm>>
        tpu.enqueue_dma source(%dma_start3A_28 : memref<8xi32, #tpu.memory_space<hbm>>) target(%arg6 : memref<8xi32, #tpu.memory_space<vmem>>) target_semaphore(%run_scoped3A : memref<!tpu.dma_semaphore, #tpu.memory_space<semaphore_mem>>)
        %dma_wait3A_29 = tpu.memref_slice %arg4[%mul3A_4] : memref<128xi32, #tpu.memory_space<hbm>> -> memref<8xi32, #tpu.memory_space<hbm>>
        %dma_wait3A_30 = tpu.memref_slice %arg4[%mul3A_4] : memref<128xi32, #tpu.memory_space<hbm>> -> memref<8xi32, #tpu.memory_space<hbm>>
        tpu.wait_dma2 semaphore(%run_scoped3A : memref<!tpu.dma_semaphore, #tpu.memory_space<semaphore_mem>>) src(%dma_wait3A_30 : memref<8xi32, #tpu.memory_space<hbm>>) dst(%arg6 : memref<8xi32, #tpu.memory_space<vmem>>)
        tpu.yield
      }) : () -> ()
      %dma_wait3A = arith.constant 0 : i32
      %dma_wait3A_18 = tpu.memref_slice %arg3[%select_n3A_14, %dma_wait3A] : memref<64x4096xf32, #tpu.memory_space<hbm>> -> memref<8x4096xf32, #tpu.memory_space<hbm>>
      %dma_wait3A_19 = arith.constant 0 : i32
      %dma_wait3A_20 = tpu.memref_slice %arg3[%select_n3A_14, %dma_wait3A_19] : memref<64x4096xf32, #tpu.memory_space<hbm>> -> memref<8x4096xf32, #tpu.memory_space<hbm>>
      tpu.wait_dma2 semaphore(%arg8 : memref<!tpu.dma_semaphore, #tpu.memory_space<semaphore_mem>>) src(%dma_wait3A_20 : memref<8x4096xf32, #tpu.memory_space<hbm>>) dst(%arg7 : memref<8x4096xf32, #tpu.memory_space<vmem>>)
      %dma_start3A_21 = arith.constant 0 : i32
      %dma_start3A_22 = arith.constant 0 : i32
      %dma_start3A_23 = tpu.memref_slice %arg2[%dma_start3A_21, %dma_start3A_22] : memref<8192x4096xf32, #tpu.memory_space<hbm>> -> memref<8192x4096xf32, #tpu.memory_space<hbm>>
      tpu.enqueue_indirect_dma source(%arg7 : memref<8x4096xf32, #tpu.memory_space<vmem>>) target(%dma_start3A_23 : memref<8192x4096xf32, #tpu.memory_space<hbm>>) offsets(%arg6 : memref<8xi32, #tpu.memory_space<vmem>>) semaphore(%arg8 : memref<!tpu.dma_semaphore, #tpu.memory_space<semaphore_mem>>)
      %dma_wait3A_24 = arith.constant 0 : i32
      %dma_wait3A_25 = arith.constant 0 : i32
      %dma_wait3A_26 = tpu.memref_slice %arg2[%dma_wait3A_24, %dma_wait3A_25] : memref<8192x4096xf32, #tpu.memory_space<hbm>> -> memref<8192x4096xf32, #tpu.memory_space<hbm>>
      tpu.wait_indirect_dma semaphore(%arg8 : memref<!tpu.dma_semaphore, #tpu.memory_space<semaphore_mem>>) src(%arg7 : memref<8x4096xf32, #tpu.memory_space<vmem>>) dst(%dma_wait3A_26 : memref<8192x4096xf32, #tpu.memory_space<hbm>>)
    } else {
    }
    return
  }
}

module attributes {stable_mosaic.version = 14 : i64} {
  func.func @_copy_body(%arg0: i32, %arg1: memref<512x4096xf32, #tpu.memory_space<vmem>>, %arg2: memref<512x4096xf32, #tpu.memory_space<vmem>>) attributes {dimension_semantics = [#tpu.dimension_semantics<arbitrary>], iteration_bounds = array<i64: 16>, scalar_prefetch = 0 : i64, scratch_operands = 0 : i64, tpu.core_type = #tpu.core_type<tc>, window_params = [{transform_indices = @transform_0, window_bounds = array<i64: 512, 4096>}, {transform_indices = @transform_1, window_bounds = array<i64: 512, 4096>}]} {
    %get3A = arith.constant 0 : index
    %get3A_0 = arith.constant 0 : index
    %get3A_1 = vector.load %arg1[%get3A, %get3A_0] : memref<512x4096xf32, #tpu.memory_space<vmem>>, vector<512x4096xf32>
    %swap3A = arith.constant 0 : index
    %swap3A_2 = arith.constant 0 : index
    %swap3A_3 = vector.load %arg2[%swap3A, %swap3A_2] : memref<512x4096xf32, #tpu.memory_space<vmem>>, vector<512x4096xf32>
    tpu.vector_store %arg2[%swap3A, %swap3A_2], %get3A_1 {strides = array<i32>} : memref<512x4096xf32, #tpu.memory_space<vmem>>, vector<512x4096xf32>,
    return
  }
  func.func @transform_0(%arg0: i32) -> (i32, i32) {
    %c0_i32 = arith.constant 0 : i32
    %c0_i32_0 = arith.constant 0 : i32
    return %arg0, %c0_i32 : i32, i32
  }
  func.func @transform_1(%arg0: i32) -> (i32, i32) {
    %c0_i32 = arith.constant 0 : i32
    %c0_i32_0 = arith.constant 0 : i32
    return %arg0, %c0_i32 : i32, i32
  }
}

</mosaic_0001>

<sc_bundles>
// kernel: kernel.4.cloned.1.call-start
scs
__scs_entry_jumppad:
0x0: {  	(pc) =	sbr.rel $0x88, $3  }
0x1: {  	(tag) =	ssettag $0x0;
	lr =	simm.s32 $0x1  }
0x2: {  	[smem:$0x3F9E] =	sst lr;
	_ =	strace $0xD0000000  }
0x3: {  	_ = 	snop  }
0x4: {  	_ = 	snop  }
0x5: {  	_ = 	snop  }
0x6: {  	_ = 	snop  }
0x7: {  	_ = 	snop  }
__scs_overlays_trampoline_lowered:
0x8: {  	[smem:$0x3FAD] =	sst s0  }
0x9: {  	[smem:$0x3FAE] =	sst s1  }
0xa: {  	[smem:$0x3FAF] =	sst s2  }
0xb: {  	[smem:$0x3FB0] =	sst s3  }
0xc: {  	[smem:$0x3FB1] =	sst s4  }
0xd: {  	[smem:$0x3FB2] =	sst s5  }
0xe: {  	[smem:$0x3FB3] =	sst s6  }
0xf: {  	[smem:$0x3FB4] =	sst s7  }
0x10: {  	[smem:$0x3FB5] =	sst s8  }
0x11: {  	[smem:$0x3FB6] =	sst s9;
	s0 =	simm.s32 @!p0 $0x0  }
0x12: {  	s1 =	sld [smem:$0x3F9C];
	s0 =	simm.s32 @p0 $0x1  }
0x13: {  	[smem:$0x3FB7] =	sst s0;
	s0 =	simm.s32 @!p1 $0x0  }
0x14: {  	s2 =	sld [smem:$0x3F9B];
	s0 =	simm.s32 @p1 $0x1  }
0x15: {  	[smem:$0x3FB8] =	sst s0;
	s0 =	simm.s32 @!p2 $0x0  }
0x16: {  	s3 =	sld [smem:$0x3FDB];
	s0 =	simm.s32 @p2 $0x1  }
0x17: {  	s4 =	simm.s32 $0x1BF5;
	[smem:$0x3FBA] =	sst s0  }
0x18: {  	s0 =	sld [smem:$0x3F9D];
	_ =	swait.ge [sflag:s4], $0x0  }
0x19: {  	s7 =	sld [smem:$0x3F9E]  }
0x1a: {  	s8 =	sadd.s32 $0xFFFFE003, lr  }
0x1b: {  	s9 =	sadd.s32 $0xFFFFFEF7, lr;
	s5 =	simm.s32 $0xFFFFFFFF;
	p2 =	slt.u32 s8, $0xFFFFF086  }
0x1c: {  	p1 =	slt.u32 s9, $0xF7A;
	s5 =	simm.s32 @!p2 $0x0  }
0x1d: {  	s5 =	simm.s32 @p1 $0x1;
	p0 =	seq.s32 s7, s2  }
0x1e: {  	s7 =	smul.u32 @!p0 $0xF7A, s2;
	p2 =	seq.s32 @!p0 s5, $0x0  }
0x1f: {  	s9 =	smul.u32 $0xF7A, s1;
	s8 =	simm.s32 @!p0 $0x1BF5;
	p2 =	por !p2, p0  }
0x20: {  	[sflag:s8] =	ssyncset.s32 @!p0 $0xFFFFF086;
	s6 =	sadd.s32 @!p0 s3, s7;
	s7 =	simm.s32 @!p0 $0x108  }
0x21: {  	s3 =	sadd.s32 s3, s9;
	s6 =	sadd.s32 @!p0 $0x88, s6;
	s7 =	simm.s32 @p2 $0x1082  }
0x22: {  	[simem:s7], [sflag:s8] =	dma.local @!p0 [hbm:s6], $0xF7A  }
0x23: {  	s9 =	sor.u32 $0xD0000000, s2;
	s6 =	simm.s32 $0x108;
	_ =	swait.ge @!p0 [sflag:s8], $0x0  }
0x24: {  	s3 =	sadd.s32 $0x88, s3;
	s6 =	simm.s32 @!p1 $0x1082;
	[sflag:s4] =	ssyncset.s32 $0xFFFFF086  }
0x25: {  	[simem:s6], [sflag:s4] =	dma.local [hbm:s3], $0xF7A  }
0x26: {  	[smem:$0x3F9E] =	sst s1;
	(tag) =	ssettag s2;
	_ =	strace s9  }
0x27: {  	s1 =	sld [smem:$0x3FAE]  }
0x28: {  	s2 =	sld [smem:$0x3FAF]  }
0x29: {  	s4 =	sld [smem:$0x3FB1]  }
0x2a: {  	p0 =	seq.s32 s5, $0x0;
	s5 =	sld [smem:$0x3FB2]  }
0x2b: {  	s6 =	sld [smem:$0x3FB3]  }
0x2c: {  	s7 =	sld [smem:$0x3FB4]  }
0x2d: {  	s3 =	simm.s32 $0x108;
	s8 =	sld [smem:$0x3FB5]  }
0x2e: {  	s3 =	simm.s32 @!p0 $0x1082;
	s9 =	sld [smem:$0x3FB6]  }
0x2f: {  	lr =	sadd.s32 s0, s3;
	s0 =	sld [smem:$0x3FAD]  }
0x30: {  	s3 =	sld [smem:$0x3FB0]  }
0x31: {  	[smem:$0x3FB9] =	sst s10  }
0x32: {  	s10 =	sld [smem:$0x3FB7];
	_ =	sdelay $0x3  }
0x33: {  	p0 =	seq.s32 s10, $0x1;
	s10 =	sld [smem:$0x3FB9];
	_ =	sdelay $0x3  }
0x34: {  	[smem:$0x3FB9] =	sst s10  }
0x35: {  	s10 =	sld [smem:$0x3FB8];
	_ =	sdelay $0x3  }
0x36: {  	p1 =	seq.s32 s10, $0x1;
	s10 =	sld [smem:$0x3FB9];
	_ =	sdelay $0x3  }
0x37: {  	[smem:$0x3FB9] =	sst s10  }
0x38: {  	s10 =	sld [smem:$0x3FBA]  }
0x39: {  	_ = 	snop;
	(pc) =	sbr.ind lr, $3  }
0x3a: {  	_ = 	snop  }
0x3b: {  	_ = 	snop  }
0x3c: {  	p2 =	seq.s32 s10, $0x1;
	s10 =	sld [smem:$0x3FB9]  }
0x3d: {  	_ =	shalt  }
0x3e: {  	_ =	shalt  }
0x3f: {  	_ =	shalt  }
0x40: {  	_ =	shalt  }
0x41: {  	_ =	shalt  }
0x42: {  	_ =	shalt  }
0x43: {  	_ =	shalt  }
0x44: {  	_ =	shalt  }
0x45: {  	_ =	shalt  }
0x46: {  	_ =	shalt  }
0x47: {  	_ =	shalt  }
0x48: {  	_ =	shalt  }
0x49: {  	_ =	shalt  }
0x4a: {  	_ =	shalt  }
0x4b: {  	_ =	shalt  }
0x4c: {  	_ =	shalt  }
0x4d: {  	_ =	shalt  }
0x4e: {  	_ =	shalt  }
0x4f: {  	_ =	shalt  }
0x50: {  	_ =	shalt  }
0x51: {  	_ =	shalt  }
0x52: {  	_ =	shalt  }
0x53: {  	_ =	shalt  }
0x54: {  	_ =	shalt  }
0x55: {  	_ =	shalt  }
0x56: {  	_ =	shalt  }
0x57: {  	_ =	shalt  }
0x58: {  	_ =	shalt  }
0x59: {  	_ =	shalt  }
0x5a: {  	_ =	shalt  }
0x5b: {  	_ =	shalt  }
0x5c: {  	_ =	shalt  }
0x5d: {  	_ =	shalt  }
0x5e: {  	_ =	shalt  }
0x5f: {  	_ =	shalt  }
0x60: {  	_ =	shalt  }
0x61: {  	_ =	shalt  }
0x62: {  	_ =	shalt  }
0x63: {  	_ =	shalt  }
0x64: {  	_ =	shalt  }
0x65: {  	_ =	shalt  }
0x66: {  	_ =	shalt  }
0x67: {  	_ =	shalt  }
0x68: {  	_ =	shalt  }
0x69: {  	_ =	shalt  }
0x6a: {  	_ =	shalt  }
0x6b: {  	_ =	shalt  }
0x6c: {  	_ =	shalt  }
0x6d: {  	_ =	shalt  }
0x6e: {  	_ =	shalt  }
0x6f: {  	_ =	shalt  }
0x70: {  	_ =	shalt  }
0x71: {  	_ =	shalt  }
0x72: {  	_ =	shalt  }
0x73: {  	_ =	shalt  }
0x74: {  	_ =	shalt  }
0x75: {  	_ =	shalt  }
0x76: {  	_ =	shalt  }
0x77: {  	_ =	shalt  }
0x78: {  	_ =	shalt  }
0x79: {  	_ =	shalt  }
0x7a: {  	_ =	shalt  }
0x7b: {  	_ =	shalt  }
0x7c: {  	_ =	shalt  }
0x7d: {  	_ =	shalt  }
0x7e: {  	_ =	shalt  }
0x7f: {  	_ =	shalt  }
0x80: {  	_ =	shalt  }
0x81: {  	_ =	shalt  }
0x82: {  	_ =	shalt  }
0x83: {  	_ =	shalt  }
0x84: {  	_ =	shalt  }
0x85: {  	_ =	shalt  }
0x86: {  	_ =	shalt  }
0x87: {  	_ =	shalt  }
.Lfunc_end0:
.L_simem_size_0:
called_computation_lowered:
.L_overlay_start_0:
0x88: {  	s2 =	sld [smem:$0x3FD9]  }
0x89: {  	s3 =	sld [smem:$0x3FFE];
	_ =	sdelay $0x1  }
0x8a: {  	s1 =	srdreg.scid  }
0x8b: {  	s0 =	sand.u32 $0x1, s1  }
0x8c: {  	s17 =	sshll.u32 s0, $0xA;
	s2 =	sadd.s32 s3, s2  }
0x8d: {  	s2 =	sadd.s32 s2, s17  }
0x8e: {  	[smem:$0x3FC5] =	sst s2  }
0x8f: {  	_ = 	snop  }
0x90: {  	s2 =	sld [smem:$0x3FC8]  }
0x91: {  	s18 =	sld [smem:$0x3FD0];
	(tm) =	ssettm $0x1  }
0x92: {  	s4 =	sld [smem:$0x3FFB];
	_ =	sdelay $0x3  }
0x93: {  	_ =	strace s4  }
0x94: {  	s4 =	sld [smem:$0x3FFC];
	_ =	sdelay $0x3  }
0x95: {  	_ =	strace s4  }
0x96: {  	s4 =	sld [smem:$0x3FFD];
	_ =	sdelay $0x3  }
0x97: {  	_ =	strace s4  }
0x98: {  	_ =	strace $0x8FFFFFFF  }
0x99: {  	s19 =	sld [smem:$0x3FDB];
	_ =	sdelay $0x1  }
0x9a: {  	s5 =	simm.s32 $_scs_section_size  }
0x9b: {  	s6 =	simm.s32 $_size__tile_overlayer_lowered;
	s7 =	simm.s32 $_tile_overlayer_lowered  }
0x9c: {  	s22 =	simm.s32 $0x1BFF;
	s21 =	sshll.u32 s7, $0x1;
	s4 =	sadd.s32 s5, s19  }
0x9d: {  	s8 =	simm.s32 $0x0;
	s20 =	sshll.u32 s6, $0x1;
	s6 =	sadd.s32 s21, s4  }
0x9e: {  	[timem:s8], [sflag:s22] =	dma.local [hbm:s6], s20  }
0x9f: {  	_ =	swait.ge [sflag:s22], s20  }
0xa0: {  	s5 =	ssub.s32 $0x0, s20;
	[sflag:s22] =	ssyncset.done $0x0  }
0xa1: {  	[sflag:s22] =	ssyncadd.s32 s5;
	_ =	sdelay $0x1  }
0xa2: {  	s23 =	simm.s32 $0x1B8B  }
0xa3: {  	_ =	swait.ge [sflag:s23], $0x1  }
0xa4: {  	[sflag:s23] =	ssyncset.done $0x0  }
0xa5: {  	s25 =	simm.s32 $0x1B8E;
	s24 =	sld [smem:$0x3FFE];
	[sflag:s23] =	ssyncadd.s32 $0xFFFFFFFF  }
0xa6: {  	s26 =	simm.s32 $execute0_lowered;
	[smem:$0x3FD2] =	sst s25  }
0xa7: {  	s6 =	sshll.u32 s26, $0x1;
	_ =	strace $0x80000046;
	[dreg:$0x1] =	wrdreg $0xFFFFFFFF  }
0xa8: {  	s28 =	simm.s32 $_size_execute0_lowered;
	s4 =	sadd.s32 s4, s6;
	[dreg:$0x0] =	wrdreg $0x0  }
0xa9: {  	s6 =	sshll.u32 s28, $0x1;
	[dreg:$0x2] =	wrdreg s4  }
0xaa: {  	[dreg:$0x3] =	wrdreg s6  }
0xab: {  	[dreg:$0x4] =	wrdreg $0xC0  }
0xac: {  	_ =	task [dreg:s8], $0x5FFFF  }
0xad: {  	[dreg:$0x1] =	wrdreg $0xFFFFFFFF  }
0xae: {  	[dreg:$0x0] =	wrdreg $0x60  }
0xaf: {  	[dreg:$0x2] =	wrdreg s18  }
0xb0: {  	[dreg:$0x3] =	wrdreg s2  }
0xb1: {  	[dreg:$0x4] =	wrdreg s24  }
0xb2: {  	[dreg:$0x5] =	wrdreg $0x9  }
0xb3: {  	_ =	task.clear_ibuf [dreg:s8], $0x6FFFF;
	_ =	strace $0x90000046  }
0xb4: {  	s29 =	simm.s32 $0x9;
	_ =	strace $0x80000048  }
0xb5: {  	_ =	swait.ge [sflag:s29], $0x1  }
0xb6: {  	[sflag:s29] =	ssyncadd.s32 $0xFFFFFFFF  }
0xb7: {  	_ =	strace $0x90000048  }
0xb8: {  	_ =	sfence  }
0xb9: {  	s30 =	sld [smem:$0x0];
	_ =	sdelay $0x2  }
0xba: {  	s31 =	sshll.u32 s1, $0xD;
	s1 =	sshrl.u32 s1, $0x2  }
0xbb: {  	s3 =	sand.u32 $0x4000, s31;
	s1 =	sadd.s32 s1, s30  }
0xbc: {  	s0 =	sor.u32 s3, s0;
	s1 =	sshll.u32 s1, $0x11  }
0xbd: {  	s0 =	sor.u32 s1, s0  }
0xbe: {  	s0 =	sadd.s32 $0x8F2B, s0  }
0xbf: {  	[sflag:s0] =	ssyncadd.remote.s32 $0x1  }
0xc0: {  	_ =	sfence.sel $0xFFFF  }
0xc1: {  	[dreg:$0x0] =	wrdreg $0xFFFFFFFF;
	(pc) =	sbr.abs _section_cstart, $3  }
0xc2: {  	[dreg:$0x1] =	wrdreg $0xFFFFFFFF  }
0xc3: {  	_ =	task.clear_ibuf [dreg:s8], $0x2FFFF;
	_ =	strace $0x9FFFFFFF  }
0xc4: {  	(tm) =	ssettm $0x7FFFFFFF  }
0xc5: {  	_ =	shalt  }
tec
execute0_lowered:
.L_overlay_start_1:
0x0: {  	(tag) =	ssettag $0x1  }
0x1: {  	s1 =	stileid.u32  }
0x2: {  	p0 =	sgt.u32 s1, $0x7  }
.Ltmp0:
0x3: {  	_ = 	snop;
	(pc) =	sbr.rel @p0 .LBB2_4-.Ltmp0, $4  }
0x4: {  	s4 =	rddreg [dreg:$0x1]  }
0x5: {  	s5 =	rddreg [dreg:$0x2];
	s3 =	simm.s32 $0x0  }
0x6: {  	[smem:$0x7FF] =	sst s3  }
0x7: {  	s0 =	rddreg [dreg:$0x3];
	_ =	strace $0x80000047  }
0x8: {  	s2 =	rddreg [dreg:$0x0]  }
0x9: {  	s6 =	srdreg.scid;
	s22 =	sshll.u32 s1, $0x1;
	s0 =	sadd.s32 $0x100, s2  }
0xa: {  	s9 =	sadd.s32 $0x400, s5;
	s19 =	sadd.s32 $0x200, s2;
	[dreg:$0x4] =	wrdreg s0  }
0xb: {  	s5 =	simm.s32 $0x80;
	s20 =	sadd.s32 $0x300, s2;
	[dreg:$0x5] =	wrdreg s19  }
0xc: {  	s21 =	sadd.s32 $0x400, s2;
	[dreg:$0x6] =	wrdreg s20;
	s0 =	sand.u32 $0x1, s6  }
0xd: {  	s7 =	sadd.s32 $0x500, s2;
	[dreg:$0x7] =	wrdreg s21;
	s6 =	sor.u32 s0, s22  }
0xe: {  	s23 =	sadd.s32 $0x600, s2;
	[dreg:$0x8] =	wrdreg s7;
	s8 =	sshll.u32 s6, $0xC  }
0xf: {  	s24 =	sadd.s32 $0x700, s2;
	[dreg:$0x9] =	wrdreg s23;
	s25 =	sand.u32 $0x7000, s8  }
0x10: {  	s26 =	sadd.s32 $0x800, s2;
	[dreg:$0xa] =	wrdreg s24;
	s4 =	sadd.s32 s4, s25  }
0x11: {  	[tilespmem:s5], [sflag:$0x1] =	stream.linear.gather [hbm4b:s4+s3], $0x8000, $0x38;
	[tilespmem:$0x8080] =	vst v63  }
0x12: {  	[dreg:$0xb] =	wrdreg s26;
	s7 =	simm.s32 $0x2;
	s6 =	sadd.s32 s9, s6  }
0x13: {  	[tilespmem:s3], [sflag:$0x2] =	stream.linear.gather [hbm4b:s6+s3], $0x8, $0x38;
	[tilespmem:$0x8080] =	vst v63  }
0x14: {  	_ =	swait.ge [sflag:s7], $0x8  }
0x15: {  	[sflag:s7] =	ssyncset.done $0x0  }
0x16: {  	s8 =	simm.s32 $0x1;
	[sflag:s7] =	ssyncadd.s32 $0xFFFFFFF8  }
0x17: {  	_ =	swait.ge [sflag:s8], $0x8000  }
0x18: {  	[sflag:s8] =	ssyncset.done $0x0  }
0x19: {  	[sflag:s8] =	ssyncadd.s32 $0xFFFF8000  }
0x1a: {  	v0 =	vld.msk [tilespmem:$0x0], $0xff;
	_ =	sdelay $0x4  }
0x1b: {  	v1 =	vshll.u32 v0, $0x5  }
0x1c: {  	v2 =	vlaneseq.u32;
	v3 =	vand.u32 $0x7, v0;
	v1 =	vand.u32 $0xFFFFFF00, v1  }
0x1d: {  	v0 =	vand.u32 $0x7, v2;
	v2 =	vshrl.u32 v2, $0x3;
	v3 =	vor.u32 v3, v1  }
0x1e: {  	v1 =	vmul.u32 $0x8, v2;
	v2 =	vperm.xlane v3, v0;
	_ =	sdelay $0x1  }
0x1f: {  	v2 =	vadd.s32 v1, v2;
	_ =	sdelay $0x3  }
0x20: {  	vm0 =	vmmov $0xffff  }
0x21: {  	[hbm4b:s2+s3] =	stream.indirect_vreg.scatter [tilespmem:s5], [sflag:$0x1], $0x80, v2, vm0, $0xb8;
	[tilespmem:$0x8080] =	vst v63  }
0x22: {  	s9 =	simm.s32 $0x880;
	s10 =	rddreg [dreg:$0x4]  }
0x23: {  	[hbm4b:s10+s3] =	stream.indirect_vreg.scatter [tilespmem:s9], [sflag:$0x1], $0x80, v2, vm0, $0xb8;
	[tilespmem:$0x8080] =	vst v63  }
0x24: {  	s11 =	rddreg [dreg:$0x5];
	s10 =	simm.s32 $0x1080  }
0x25: {  	[hbm4b:s11+s3] =	stream.indirect_vreg.scatter [tilespmem:s10], [sflag:$0x1], $0x80, v2, vm0, $0xb8;
	[tilespmem:$0x8080] =	vst v63  }
0x26: {  	s12 =	rddreg [dreg:$0x6];
	s11 =	simm.s32 $0x1880  }
0x27: {  	[hbm4b:s12+s3] =	stream.indirect_vreg.scatter [tilespmem:s11], [sflag:$0x1], $0x80, v2, vm0, $0xb8;
	[tilespmem:$0x8080] =	vst v63  }
0x28: {  	s13 =	rddreg [dreg:$0x7];
	s12 =	simm.s32 $0x2080  }
0x29: {  	[hbm4b:s13+s3] =	stream.indirect_vreg.scatter [tilespmem:s12], [sflag:$0x1], $0x80, v2, vm0, $0xb8;
	[tilespmem:$0x8080] =	vst v63  }
0x2a: {  	s14 =	rddreg [dreg:$0x8];
	s13 =	simm.s32 $0x2880  }
0x2b: {  	[hbm4b:s14+s3] =	stream.indirect_vreg.scatter [tilespmem:s13], [sflag:$0x1], $0x80, v2, vm0, $0xb8;
	[tilespmem:$0x8080] =	vst v63  }
0x2c: {  	s15 =	rddreg [dreg:$0x9];
	s14 =	simm.s32 $0x3080  }
0x2d: {  	[hbm4b:s15+s3] =	stream.indirect_vreg.scatter [tilespmem:s14], [sflag:$0x1], $0x80, v2, vm0, $0xb8;
	[tilespmem:$0x8080] =	vst v63  }
0x2e: {  	s16 =	rddreg [dreg:$0xa];
	s15 =	simm.s32 $0x3880  }
0x2f: {  	[hbm4b:s16+s3] =	stream.indirect_vreg.scatter [tilespmem:s15], [sflag:$0x1], $0x80, v2, vm0, $0xb8;
	[tilespmem:$0x8080] =	vst v63  }
0x30: {  	s17 =	rddreg [dreg:$0xb];
	s16 =	simm.s32 $0x4080  }
0x31: {  	[hbm4b:s17+s3] =	stream.indirect_vreg.scatter [tilespmem:s16], [sflag:$0x1], $0x80, v2, vm0, $0xb8;
	[tilespmem:$0x8080] =	vst v63  }
0x32: {  	s18 =	simm.s32 $0x4880;
	s17 =	sadd.s32 $0x900, s2  }
0x33: {  	[hbm4b:s17+s3] =	stream.indirect_vreg.scatter [tilespmem:s18], [sflag:$0x1], $0x80, v2, vm0, $0xb8;
	[tilespmem:$0x8080] =	vst v63  }
0x34: {  	s19 =	sadd.s32 $0xA00, s2;
	s20 =	simm.s32 $0x5080;
	s0 =	ssub.s32 $0x2, s0  }
0x35: {  	[hbm4b:s19+s3] =	stream.indirect_vreg.scatter [tilespmem:s20], [sflag:$0x1], $0x80, v2, vm0, $0xb8;
	[tilespmem:$0x8080] =	vst v63  }
0x36: {  	s21 =	sadd.s32 $0xB00, s2;
	s22 =	simm.s32 $0x5880;
	s29 =	sshrl.u32 s0, $0x1  }
0x37: {  	[hbm4b:s21+s3] =	stream.indirect_vreg.scatter [tilespmem:s22], [sflag:$0x1], $0x80, v2, vm0, $0xb8;
	[tilespmem:$0x8080] =	vst v63  }
0x38: {  	s23 =	sadd.s32 $0xC00, s2;
	s24 =	simm.s32 $0x6080;
	s0 =	ssub.s32 s0, s29  }
0x39: {  	[hbm4b:s23+s3] =	stream.indirect_vreg.scatter [tilespmem:s24], [sflag:$0x1], $0x80, v2, vm0, $0xb8;
	[tilespmem:$0x8080] =	vst v63  }
0x3a: {  	s26 =	simm.s32 $0x6880;
	s25 =	sadd.s32 $0xD00, s2;
	s0 =	smax.u32 s0, $0x1  }
0x3b: {  	[hbm4b:s25+s3] =	stream.indirect_vreg.scatter [tilespmem:s26], [sflag:$0x1], $0x80, v2, vm0, $0xb8;
	[tilespmem:$0x8080] =	vst v63  }
0x3c: {  	s28 =	sadd.s32 $0xE00, s2;
	s29 =	simm.s32 $0x7080;
	p0 =	sne.s32 s0, $0x1  }
0x3d: {  	[hbm4b:s28+s3] =	stream.indirect_vreg.scatter [tilespmem:s29], [sflag:$0x1], $0x80, v2, vm0, $0xb8;
	[tilespmem:$0x8080] =	vst v63  }
.Ltmp1:
0x3e: {  	_ = 	snop;
	(pc) =	sbr.rel @!p0 .LBB2_3-.Ltmp1, $4  }
0x3f: {  	s31 =	simm.s32 $0x7880;
	s30 =	sadd.s32 $0xF00, s2  }
0x40: {  	[hbm4b:s30+s3] =	stream.indirect_vreg.scatter [tilespmem:s31], [sflag:$0x1], $0x80, v2, vm0, $0xb8;
	[tilespmem:$0x8080] =	vst v63  }
0x41: {  	_ =	swait.ge [sflag:s8], $0x8000  }
0x42: {  	s0 =	sadd.s32 $0xFFFFFFFF, s0;
	[sflag:s8] =	ssyncset.done $0x0  }
.LBB2_2:
0x43: {  	[sflag:s8] =	ssyncadd.s32 $0xFFFF8000  }
0x44: {  	[tilespmem:s5], [sflag:$0x1] =	stream.linear.gather [hbm4b:s4+s3], $0x8000, $0x38;
	[tilespmem:$0x8080] =	vst v63  }
0x45: {  	_ = 	snop  }
0x46: {  	[tilespmem:s3], [sflag:$0x2] =	stream.linear.gather [hbm4b:s6+s3], $0x8, $0x38;
	[tilespmem:$0x8080] =	vst v63  }
0x47: {  	_ =	swait.ge [sflag:s7], $0x8  }
0x48: {  	[sflag:s7] =	ssyncset.done $0x0  }
0x49: {  	[sflag:s7] =	ssyncadd.s32 $0xFFFFFFF8  }
0x4a: {  	_ =	swait.ge [sflag:s8], $0x8000  }
0x4b: {  	[sflag:s8] =	ssyncset.done $0x0  }
0x4c: {  	[sflag:s8] =	ssyncadd.s32 $0xFFFF8000  }
0x4d: {  	v2 =	vld.msk [tilespmem:$0x0], $0xff;
	_ =	sdelay $0x4  }
0x4e: {  	v3 =	vshll.u32 v2, $0x5  }
0x4f: {  	v2 =	vand.u32 $0x7, v2;
	v3 =	vand.u32 $0xFFFFFF00, v3  }
0x50: {  	v2 =	vor.u32 v2, v3  }
0x51: {  	v2 =	vperm.xlane v2, v0;
	_ =	sdelay $0x1  }
0x52: {  	v2 =	vadd.s32 v1, v2;
	_ =	sdelay $0x3  }
0x53: {  	s2 =	rddreg [dreg:$0x0]  }
0x54: {  	[hbm4b:s2+s3] =	stream.indirect_vreg.scatter [tilespmem:s5], [sflag:$0x1], $0x80, v2, vm0, $0xb8;
	[tilespmem:$0x8080] =	vst v63  }
0x55: {  	s1 =	rddreg [dreg:$0x4]  }
0x56: {  	[hbm4b:s1+s3] =	stream.indirect_vreg.scatter [tilespmem:s9], [sflag:$0x1], $0x80, v2, vm0, $0xb8;
	[tilespmem:$0x8080] =	vst v63  }
0x57: {  	s2 =	rddreg [dreg:$0x5]  }
0x58: {  	[hbm4b:s2+s3] =	stream.indirect_vreg.scatter [tilespmem:s10], [sflag:$0x1], $0x80, v2, vm0, $0xb8;
	[tilespmem:$0x8080] =	vst v63  }
0x59: {  	s1 =	rddreg [dreg:$0x6]  }
0x5a: {  	[hbm4b:s1+s3] =	stream.indirect_vreg.scatter [tilespmem:s11], [sflag:$0x1], $0x80, v2, vm0, $0xb8;
	[tilespmem:$0x8080] =	vst v63  }
0x5b: {  	s2 =	rddreg [dreg:$0x7]  }
0x5c: {  	[hbm4b:s2+s3] =	stream.indirect_vreg.scatter [tilespmem:s12], [sflag:$0x1], $0x80, v2, vm0, $0xb8;
	[tilespmem:$0x8080] =	vst v63  }
0x5d: {  	s1 =	rddreg [dreg:$0x8]  }
0x5e: {  	[hbm4b:s1+s3] =	stream.indirect_vreg.scatter [tilespmem:s13], [sflag:$0x1], $0x80, v2, vm0, $0xb8;
	[tilespmem:$0x8080] =	vst v63  }
0x5f: {  	s2 =	rddreg [dreg:$0x9]  }
0x60: {  	[hbm4b:s2+s3] =	stream.indirect_vreg.scatter [tilespmem:s14], [sflag:$0x1], $0x80, v2, vm0, $0xb8;
	[tilespmem:$0x8080] =	vst v63  }
0x61: {  	s1 =	rddreg [dreg:$0xa]  }
0x62: {  	[hbm4b:s1+s3] =	stream.indirect_vreg.scatter [tilespmem:s15], [sflag:$0x1], $0x80, v2, vm0, $0xb8;
	[tilespmem:$0x8080] =	vst v63  }
0x63: {  	s2 =	rddreg [dreg:$0xb]  }
0x64: {  	[hbm4b:s2+s3] =	stream.indirect_vreg.scatter [tilespmem:s16], [sflag:$0x1], $0x80, v2, vm0, $0xb8;
	[tilespmem:$0x8080] =	vst v63  }
0x65: {  	_ = 	snop  }
0x66: {  	[hbm4b:s17+s3] =	stream.indirect_vreg.scatter [tilespmem:s18], [sflag:$0x1], $0x80, v2, vm0, $0xb8;
	[tilespmem:$0x8080] =	vst v63  }
0x67: {  	_ = 	snop  }
0x68: {  	[hbm4b:s19+s3] =	stream.indirect_vreg.scatter [tilespmem:s20], [sflag:$0x1], $0x80, v2, vm0, $0xb8;
	[tilespmem:$0x8080] =	vst v63  }
0x69: {  	_ = 	snop  }
0x6a: {  	[hbm4b:s21+s3] =	stream.indirect_vreg.scatter [tilespmem:s22], [sflag:$0x1], $0x80, v2, vm0, $0xb8;
	[tilespmem:$0x8080] =	vst v63  }
0x6b: {  	_ = 	snop  }
0x6c: {  	[hbm4b:s23+s3] =	stream.indirect_vreg.scatter [tilespmem:s24], [sflag:$0x1], $0x80, v2, vm0, $0xb8;
	[tilespmem:$0x8080] =	vst v63  }
0x6d: {  	_ = 	snop  }
0x6e: {  	[hbm4b:s25+s3] =	stream.indirect_vreg.scatter [tilespmem:s26], [sflag:$0x1], $0x80, v2, vm0, $0xb8;
	[tilespmem:$0x8080] =	vst v63  }
0x6f: {  	p0 =	sne.s32 s0, $0x1  }
0x70: {  	[hbm4b:s28+s3] =	stream.indirect_vreg.scatter [tilespmem:s29], [sflag:$0x1], $0x80, v2, vm0, $0xb8;
	[tilespmem:$0x8080] =	vst v63  }
.Ltmp2:
0x71: {  	_ = 	snop;
	(pc) =	sbr.rel @p0 .LBB2_2-.Ltmp2, $4  }
0x72: {  	_ = 	snop  }
0x73: {  	[hbm4b:s30+s3] =	stream.indirect_vreg.scatter [tilespmem:s31], [sflag:$0x1], $0x80, v2, vm0, $0xb8;
	[tilespmem:$0x8080] =	vst v63  }
0x74: {  	_ =	swait.ge [sflag:s8], $0x8000  }
0x75: {  	s0 =	sadd.s32 $0xFFFFFFFF, s0;
	[sflag:s8] =	ssyncset.done $0x0  }
.LBB2_3:
0x76: {  	[sflag:s8] =	ssyncadd.s32 $0xFFFF8000  }
0x77: {  	s1 =	stileid.u32;
	s0 =	rddreg [dreg:$0x3]  }
.LBB2_4:
0x78: {  	_ =	sfence.sel $0x180000  }
0x79: {  	[bflag:$0x0] =	sbarrier.arrive $0xFFFF  }
0x7a: {  	p0 =	sne.s32 s1, $0x0;
	_ =	strace $0x90000047  }
0x7b: {  	s0 =	sadd.s32 @!p0 $0x100000, s0;
	[bflag:$0x2] =	sbarrier.arrive $0xFFFF  }
0x7c: {  	[sflag:s0] =	ssyncadd.tile.s32 @!p0 $0x1;
	_ =	shalt  }
.Lfunc_end2:
_tile_overlayer_lowered:
.L_overlay_start_2:
0x7d: {  	(tag) =	ssettag $0x2  }
0x7e: {  	s0 =	rddreg [dreg:$0x0];
	s2 =	stileid.u32  }
0x7f: {  	s1 =	rddreg [dreg:$0x1];
	p0 =	sne.s32 s2, $0x0  }
0x80: {  	s3 =	rddreg [dreg:$0x2];
	[bflag:$0x3] =	sbarrier.arrive $0xFFFF;
	s2 =	simm.s32 @!p0 $0x1C02  }
0x81: {  	[timem:s3], [sflag:s2] =	dma.local @!p0 [hbm:s0], s1  }
0x82: {  	s0 =	simm.s32 @!p0 $0x2  }
0x83: {  	_ =	swait.ge @!p0 [sflag:s0], s1  }
0x84: {  	s1 =	ssub.s32 @!p0 $0x0, s1;
	[sflag:s0] =	ssyncset.done @!p0 $0x0  }
0x85: {  	[sflag:s0] =	ssyncadd.s32 @!p0 s1  }
0x86: {  	[bflag:$0x3] =	sbarrier.arrive $0xFFFF  }
0x87: {  	_ =	shalt  }

</sc_bundles>
